<compile_context>
chip_gen: v7x
topology: tpu7x:2x2x1
jax: 0.10.2.dev20260603
libtpu: 0.0.44.dev20260713+nightly
codegen_flags: <defaults>
</compile_context>

<pallas_src>
import functools

import jax
import jax.numpy as jnp
from jax import lax
from jax.experimental import pallas as pl
from jax.experimental.pallas import tpu as pltpu
from jax.experimental.pallas import tpu_sc as plsc

VOCAB = 10000
EMBED_DIM = 128
BATCH = 4096
HIST = 50

NUM_CORES = 2
NUM_SUBCORES = 16
LANES = 16
NW = NUM_CORES * NUM_SUBCORES
BPW = BATCH // NW
IPW = BPW * HIST
GROUPS = BPW // LANES

LUT_GRID = 2
LUT_BLK = 5120
LUT_PAD = LUT_GRID * LUT_BLK


SUBS = LUT_BLK // 128


def _lut_body(table_ref, w1_ref, w2_ref, b1_ref, b2_ref, int_ref, s_ref,
              idx_ref):
    f32 = jnp.float32
    v = lax.dot_general(w2_ref[...], w1_ref[...], (((1,), (0,)), ((), ())),
                        precision=lax.Precision.HIGHEST,
                        preferred_element_type=f32)
    rows = [
        lax.dot_general(v, table_ref[pl.ds(p * 128, 128), :],
                        (((1,), (1,)), ((), ())),
                        precision=lax.Precision.DEFAULT,
                        preferred_element_type=f32)
        for p in range(SUBS)
    ]
    blk = jnp.concatenate(rows, axis=0)
    c = jnp.sum(b1_ref[...] * w2_ref[...]) + b2_ref[0, 0]
    i = pl.program_id(0)
    s_ref[pl.ds(i * SUBS, SUBS), :] = (blk + c) * (1.0 / HIST)

    @pl.when(i == 0)
    def _():
        idx_ref[...] = int_ref[...].reshape(HIST, NW, BPW)


def _lut_call(table, w1, w2, b1r, b2r, inT):
    return pl.pallas_call(
        _lut_body,
        grid=(LUT_GRID,),
        in_specs=[
            pl.BlockSpec((LUT_BLK, EMBED_DIM), lambda i: (i, 0)),
            pl.BlockSpec((EMBED_DIM, EMBED_DIM), lambda i: (0, 0)),
            pl.BlockSpec((1, EMBED_DIM), lambda i: (0, 0)),
            pl.BlockSpec((1, EMBED_DIM), lambda i: (0, 0)),
            pl.BlockSpec((1, 1), lambda i: (0, 0)),
            pl.BlockSpec((HIST, BATCH), lambda i: (0, 0)),
        ],
        out_specs=[
            pl.BlockSpec((LUT_GRID * SUBS, 128), lambda i: (0, 0)),
            pl.BlockSpec((HIST, NW, BPW), lambda i: (0, 0, 0)),
        ],
        out_shape=[
            jax.ShapeDtypeStruct((LUT_GRID * SUBS, 128), jnp.float32),
            jax.ShapeDtypeStruct((HIST, NW, BPW), jnp.int32),
        ],
    )(table, w1, w2, b1r, b2r, inT)


@functools.cache
def _get_bag_kernel():
    mesh = plsc.VectorSubcoreMesh(core_axis_name="c", subcore_axis_name="s",
                                  num_cores=NUM_CORES,
                                  num_subcores=NUM_SUBCORES)

    @functools.partial(
        pl.kernel,
        out_type=jax.ShapeDtypeStruct((BATCH,), jnp.float32),
        mesh=mesh,
        scratch_types=[
            pltpu.VMEM((LUT_PAD,), jnp.float32),
            pltpu.VMEM((HIST, BPW), jnp.int32),
            pltpu.VMEM((BPW,), jnp.float32),
            pltpu.SemaphoreType.DMA,
            pltpu.SemaphoreType.DMA,
        ],
        compiler_params=pltpu.CompilerParams(needs_layout_passes=False,
                                             use_tc_tiling_on_sc=False),
    )
    def _bag_kernel(idx_hbm, lut_hbm, out_hbm, lut_v, idx_v, out_v,
                    sem_lut, sem_idx):
        wid = lax.axis_index("s") * NUM_CORES + lax.axis_index("c")
        cp_lut = pltpu.async_copy(lut_hbm, lut_v, sem_lut)
        cp_idx = pltpu.async_copy(idx_hbm.at[:, pl.ds(wid * BPW, BPW)],
                                  idx_v, sem_idx)
        cp_idx.wait()
        cp_lut.wait()

        def step(l, accs):
            new = []
            for g in range(GROUPS):
                iv = idx_v[l, pl.ds(g * LANES, LANES)]
                new.append(accs[g] + plsc.load_gather(lut_v, [iv]))
            return tuple(new)

        accs = lax.fori_loop(
            0, HIST, step,
            tuple(jnp.zeros((LANES,), jnp.float32) for _ in range(GROUPS)))
        for g in range(GROUPS):
            out_v[pl.ds(g * LANES, LANES)] = accs[g]
        pltpu.sync_copy(out_v, out_hbm.at[pl.ds(wid * BPW, BPW)])

    return _bag_kernel


def kernel(input, emb_table, W1, b1, W2, b2):
    lut, idx3 = _lut_call(emb_table, W1, W2, b1.reshape(1, EMBED_DIM),
                          b2.reshape(1, 1), input.T)
    out = _get_bag_kernel()(idx3.reshape(HIST, BATCH), lut.reshape(-1))
    return out.reshape(BATCH, 1)

# --- scband reference (transcript-rebuilt; emitter-appended) ---
"""Pipeline reference for scband-custom-model-embedding-bag-nn-13993003451116 (READ-ONLY COPY).

The authoritative reference and input builder live on the scoring server;
editing this copy changes nothing except your own understanding.
"""

import jax, jax.numpy as jnp
import numpy as np

VOCAB = 10000
EMBED_DIM = 128
OUTPUT_DIM = 128
BATCH = 4096
HIST = 50


def setup_inputs(seed: int = 0) -> dict:
    key = jax.random.key(seed)
    k1, k2, k3, k4, k5, k6 = jax.random.split(key, 6)
    inp = jax.random.randint(k1, (BATCH, HIST), 0, VOCAB, dtype=jnp.int32)
    emb_table = jax.random.normal(k2, (VOCAB, EMBED_DIM), dtype=jnp.float32)
    # PyTorch Linear init scale ~ 1/sqrt(fan_in)
    W1 = jax.random.uniform(k3, (OUTPUT_DIM, EMBED_DIM), dtype=jnp.float32, minval=-1.0, maxval=1.0) / np.sqrt(EMBED_DIM)
    b1 = jax.random.uniform(k4, (OUTPUT_DIM,), dtype=jnp.float32, minval=-1.0, maxval=1.0) / np.sqrt(EMBED_DIM)
    W2 = jax.random.uniform(k5, (1, OUTPUT_DIM), dtype=jnp.float32, minval=-1.0, maxval=1.0) / np.sqrt(OUTPUT_DIM)
    b2 = jax.random.uniform(k6, (1,), dtype=jnp.float32, minval=-1.0, maxval=1.0) / np.sqrt(OUTPUT_DIM)
    return {"input": inp, "emb_table": emb_table, "W1": W1, "b1": b1, "W2": W2, "b2": b2}


def reference(input, emb_table, W1, b1, W2, b2):
    # nn.EmbeddingBag default mode='mean' over each bag (row of 2D input)
    gathered = jnp.take(emb_table, input, axis=0)          # [B, L, D]
    embed = jnp.mean(gathered, axis=1)                     # [B, D]
    intermediate = embed @ W1.T + b1                       # [B, OUTPUT_DIM]
    output = intermediate @ W2.T + b2                      # [B, 1]
    return output

if __name__ == "__main__":
    import jax
    _d = setup_inputs()
    print(jax.jit(kernel)(*tuple(_d.values())))

</pallas_src>

<mosaic_0001>
#map = affine_map<(d0, d1) -> (0, 0)>
#map1 = affine_map<(d0, d1) -> (0)>
module attributes {stable_mosaic.version = 14 : i64} {
  func.func @_bag_kernel(%arg0: i32, %arg1: i32, %arg2: memref<50x4096xi32, #tpu.memory_space<hbm>>, %arg3: memref<10240xf32, #tpu.memory_space<hbm>>, %arg4: memref<4096xf32, #tpu.memory_space<hbm>>, %arg5: memref<10240xf32, #tpu.memory_space<vmem>>, %arg6: memref<50x128xi32, #tpu.memory_space<vmem>>, %arg7: memref<128xf32, #tpu.memory_space<vmem>>, %arg8: memref<!tpu.dma_semaphore, #tpu.memory_space<semaphore_mem>>, %arg9: memref<!tpu.dma_semaphore, #tpu.memory_space<semaphore_mem>>) attributes {dimension_semantics = [#tpu.dimension_semantics<core_parallel>, #tpu.dimension_semantics<subcore_parallel>], iteration_bounds = array<i64: 2, 16>, scalar_prefetch = 0 : i64, scratch_operands = 5 : i64, tpu.core_type = #tpu.core_type<sc_vector_subcore>, window_params = [{transform_indices = #map}, {transform_indices = #map1}, {transform_indices = #map1}]} {
    %mul3A = arith.constant 2 : i32
    %mul3A_0 = arith.muli %arg1, %mul3A : i32
    %add3A = arith.addi %mul3A_0, %arg0 : i32
    tpu.enqueue_dma source(%arg3 : memref<10240xf32, #tpu.memory_space<hbm>>) target(%arg5 : memref<10240xf32, #tpu.memory_space<vmem>>) target_semaphore(%arg8 : memref<!tpu.dma_semaphore, #tpu.memory_space<semaphore_mem>>)
    %mul3A_1 = arith.constant 128 : i32
    %mul3A_2 = arith.muli %add3A, %mul3A_1 : i32
    %dma_start3A = arith.constant 0 : i32
    %dma_start3A_3 = tpu.memref_slice %arg2[%dma_start3A, %mul3A_2] : memref<50x4096xi32, #tpu.memory_space<hbm>> -> memref<50x128xi32, #tpu.memory_space<hbm>>
    %dma_start3A_4 = arith.constant 0 : i32
    %dma_start3A_5 = tpu.memref_slice %arg2[%dma_start3A_4, %mul3A_2] : memref<50x4096xi32, #tpu.memory_space<hbm>> -> memref<50x128xi32, #tpu.memory_space<hbm>>
    tpu.enqueue_dma source(%dma_start3A_5 : memref<50x128xi32, #tpu.memory_space<hbm>>) target(%arg6 : memref<50x128xi32, #tpu.memory_space<vmem>>) target_semaphore(%arg9 : memref<!tpu.dma_semaphore, #tpu.memory_space<semaphore_mem>>)
    %dma_wait3A = arith.constant 0 : i32
    %dma_wait3A_6 = tpu.memref_slice %arg2[%dma_wait3A, %mul3A_2] : memref<50x4096xi32, #tpu.memory_space<hbm>> -> memref<50x128xi32, #tpu.memory_space<hbm>>
    %dma_wait3A_7 = arith.constant 0 : i32
    %dma_wait3A_8 = tpu.memref_slice %arg2[%dma_wait3A_7, %mul3A_2] : memref<50x4096xi32, #tpu.memory_space<hbm>> -> memref<50x128xi32, #tpu.memory_space<hbm>>
    tpu.wait_dma2 semaphore(%arg9 : memref<!tpu.dma_semaphore, #tpu.memory_space<semaphore_mem>>) src(%dma_wait3A_8 : memref<50x128xi32, #tpu.memory_space<hbm>>) dst(%arg6 : memref<50x128xi32, #tpu.memory_space<vmem>>)
    tpu.wait_dma2 semaphore(%arg8 : memref<!tpu.dma_semaphore, #tpu.memory_space<semaphore_mem>>) src(%arg3 : memref<10240xf32, #tpu.memory_space<hbm>>) dst(%arg5 : memref<10240xf32, #tpu.memory_space<vmem>>)
    %broadcast_in_dim3A = arith.constant 0.000000e+00 : f32
    %broadcast_in_dim3A_9 = vector.broadcast %broadcast_in_dim3A : f32 to vector<16xf32>
    %broadcast_in_dim3A_10 = arith.constant 0.000000e+00 : f32
    %broadcast_in_dim3A_11 = vector.broadcast %broadcast_in_dim3A_10 : f32 to vector<16xf32>
    %broadcast_in_dim3A_12 = arith.constant 0.000000e+00 : f32
    %broadcast_in_dim3A_13 = vector.broadcast %broadcast_in_dim3A_12 : f32 to vector<16xf32>
    %broadcast_in_dim3A_14 = arith.constant 0.000000e+00 : f32
    %broadcast_in_dim3A_15 = vector.broadcast %broadcast_in_dim3A_14 : f32 to vector<16xf32>
    %broadcast_in_dim3A_16 = arith.constant 0.000000e+00 : f32
    %broadcast_in_dim3A_17 = vector.broadcast %broadcast_in_dim3A_16 : f32 to vector<16xf32>
    %broadcast_in_dim3A_18 = arith.constant 0.000000e+00 : f32
    %broadcast_in_dim3A_19 = vector.broadcast %broadcast_in_dim3A_18 : f32 to vector<16xf32>
    %broadcast_in_dim3A_20 = arith.constant 0.000000e+00 : f32
    %broadcast_in_dim3A_21 = vector.broadcast %broadcast_in_dim3A_20 : f32 to vector<16xf32>
    %broadcast_in_dim3A_22 = arith.constant 0.000000e+00 : f32
    %broadcast_in_dim3A_23 = vector.broadcast %broadcast_in_dim3A_22 : f32 to vector<16xf32>
    %scan3A = arith.constant 0 : i32
    %scan3A_24 = arith.constant 50 : i32
    %scan3A_25 = arith.addi %scan3A, %scan3A_24 : i32
    %scan3A_26 = arith.constant 1 : i32
    %scan3A_27:8 = scf.for %scan3A_46 = %scan3A to %scan3A_25 step %scan3A_26 iter_args(%scan3A_47 = %broadcast_in_dim3A_9, %scan3A_48 = %broadcast_in_dim3A_11, %scan3A_49 = %broadcast_in_dim3A_13, %scan3A_50 = %broadcast_in_dim3A_15, %scan3A_51 = %broadcast_in_dim3A_17, %scan3A_52 = %broadcast_in_dim3A_19, %scan3A_53 = %broadcast_in_dim3A_21, %scan3A_54 = %broadcast_in_dim3A_23) -> (vector<16xf32>, vector<16xf32>, vector<16xf32>, vector<16xf32>, vector<16xf32>, vector<16xf32>, vector<16xf32>, vector<16xf32>)  : i32 {
      %get3A = arith.index_cast %scan3A_46 : i32 to index
      %get3A_55 = arith.constant 0 : index
      %get3A_56 = tpu.vector_load %arg6[%get3A, %get3A_55] {strides = array<i32>} : memref<50x128xi32, #tpu.memory_space<vmem>>, vector<16xi32>,
      %gather3A = tpu.vector_load_idx %arg5[%get3A_56] : memref<10240xf32, #tpu.memory_space<vmem>>[vector<16xi32>], vector<16xf32>,
      %add3A_57 = arith.addf %scan3A_47, %gather3A : vector<16xf32>
      %get3A_58 = arith.index_cast %scan3A_46 : i32 to index
      %get3A_59 = arith.constant 16 : index
      %get3A_60 = tpu.vector_load %arg6[%get3A_58, %get3A_59] {strides = array<i32>} : memref<50x128xi32, #tpu.memory_space<vmem>>, vector<16xi32>,
      %gather3A_61 = tpu.vector_load_idx %arg5[%get3A_60] : memref<10240xf32, #tpu.memory_space<vmem>>[vector<16xi32>], vector<16xf32>,
      %add3A_62 = arith.addf %scan3A_48, %gather3A_61 : vector<16xf32>
      %get3A_63 = arith.index_cast %scan3A_46 : i32 to index
      %get3A_64 = arith.constant 32 : index
      %get3A_65 = tpu.vector_load %arg6[%get3A_63, %get3A_64] {strides = array<i32>} : memref<50x128xi32, #tpu.memory_space<vmem>>, vector<16xi32>,
      %gather3A_66 = tpu.vector_load_idx %arg5[%get3A_65] : memref<10240xf32, #tpu.memory_space<vmem>>[vector<16xi32>], vector<16xf32>,
      %add3A_67 = arith.addf %scan3A_49, %gather3A_66 : vector<16xf32>
      %get3A_68 = arith.index_cast %scan3A_46 : i32 to index
      %get3A_69 = arith.constant 48 : index
      %get3A_70 = tpu.vector_load %arg6[%get3A_68, %get3A_69] {strides = array<i32>} : memref<50x128xi32, #tpu.memory_space<vmem>>, vector<16xi32>,
      %gather3A_71 = tpu.vector_load_idx %arg5[%get3A_70] : memref<10240xf32, #tpu.memory_space<vmem>>[vector<16xi32>], vector<16xf32>,
      %add3A_72 = arith.addf %scan3A_50, %gather3A_71 : vector<16xf32>
      %get3A_73 = arith.index_cast %scan3A_46 : i32 to index
      %get3A_74 = arith.constant 64 : index
      %get3A_75 = tpu.vector_load %arg6[%get3A_73, %get3A_74] {strides = array<i32>} : memref<50x128xi32, #tpu.memory_space<vmem>>, vector<16xi32>,
      %gather3A_76 = tpu.vector_load_idx %arg5[%get3A_75] : memref<10240xf32, #tpu.memory_space<vmem>>[vector<16xi32>], vector<16xf32>,
      %add3A_77 = arith.addf %scan3A_51, %gather3A_76 : vector<16xf32>
      %get3A_78 = arith.index_cast %scan3A_46 : i32 to index
      %get3A_79 = arith.constant 80 : index
      %get3A_80 = tpu.vector_load %arg6[%get3A_78, %get3A_79] {strides = array<i32>} : memref<50x128xi32, #tpu.memory_space<vmem>>, vector<16xi32>,
      %gather3A_81 = tpu.vector_load_idx %arg5[%get3A_80] : memref<10240xf32, #tpu.memory_space<vmem>>[vector<16xi32>], vector<16xf32>,
      %add3A_82 = arith.addf %scan3A_52, %gather3A_81 : vector<16xf32>
      %get3A_83 = arith.index_cast %scan3A_46 : i32 to index
      %get3A_84 = arith.constant 96 : index
      %get3A_85 = tpu.vector_load %arg6[%get3A_83, %get3A_84] {strides = array<i32>} : memref<50x128xi32, #tpu.memory_space<vmem>>, vector<16xi32>,
      %gather3A_86 = tpu.vector_load_idx %arg5[%get3A_85] : memref<10240xf32, #tpu.memory_space<vmem>>[vector<16xi32>], vector<16xf32>,
      %add3A_87 = arith.addf %scan3A_53, %gather3A_86 : vector<16xf32>
      %get3A_88 = arith.index_cast %scan3A_46 : i32 to index
      %get3A_89 = arith.constant 112 : index
      %get3A_90 = tpu.vector_load %arg6[%get3A_88, %get3A_89] {strides = array<i32>} : memref<50x128xi32, #tpu.memory_space<vmem>>, vector<16xi32>,
      %gather3A_91 = tpu.vector_load_idx %arg5[%get3A_90] : memref<10240xf32, #tpu.memory_space<vmem>>[vector<16xi32>], vector<16xf32>,
      %add3A_92 = arith.addf %scan3A_54, %gather3A_91 : vector<16xf32>
      scf.yield %add3A_57, %add3A_62, %add3A_67, %add3A_72, %add3A_77, %add3A_82, %add3A_87, %add3A_92 : vector<16xf32>, vector<16xf32>, vector<16xf32>, vector<16xf32>, vector<16xf32>, vector<16xf32>, vector<16xf32>, vector<16xf32>
    }
    %scan3A_28 = arith.constant 50 : i32
    %swap3A = arith.constant 0 : index
    %swap3A_29 = tpu.vector_load %arg7[%swap3A] {strides = array<i32>} : memref<128xf32, #tpu.memory_space<vmem>>, vector<16xf32>,
    tpu.vector_store %arg7[%swap3A], %scan3A_27#0 {strides = array<i32>} : memref<128xf32, #tpu.memory_space<vmem>>, vector<16xf32>,
    %swap3A_30 = arith.constant 16 : index
    %swap3A_31 = tpu.vector_load %arg7[%swap3A_30] {strides = array<i32>} : memref<128xf32, #tpu.memory_space<vmem>>, vector<16xf32>,
    tpu.vector_store %arg7[%swap3A_30], %scan3A_27#1 {strides = array<i32>} : memref<128xf32, #tpu.memory_space<vmem>>, vector<16xf32>,
    %swap3A_32 = arith.constant 32 : index
    %swap3A_33 = tpu.vector_load %arg7[%swap3A_32] {strides = array<i32>} : memref<128xf32, #tpu.memory_space<vmem>>, vector<16xf32>,
    tpu.vector_store %arg7[%swap3A_32], %scan3A_27#2 {strides = array<i32>} : memref<128xf32, #tpu.memory_space<vmem>>, vector<16xf32>,
    %swap3A_34 = arith.constant 48 : index
    %swap3A_35 = tpu.vector_load %arg7[%swap3A_34] {strides = array<i32>} : memref<128xf32, #tpu.memory_space<vmem>>, vector<16xf32>,
    tpu.vector_store %arg7[%swap3A_34], %scan3A_27#3 {strides = array<i32>} : memref<128xf32, #tpu.memory_space<vmem>>, vector<16xf32>,
    %swap3A_36 = arith.constant 64 : index
    %swap3A_37 = tpu.vector_load %arg7[%swap3A_36] {strides = array<i32>} : memref<128xf32, #tpu.memory_space<vmem>>, vector<16xf32>,
    tpu.vector_store %arg7[%swap3A_36], %scan3A_27#4 {strides = array<i32>} : memref<128xf32, #tpu.memory_space<vmem>>, vector<16xf32>,
    %swap3A_38 = arith.constant 80 : index
    %swap3A_39 = tpu.vector_load %arg7[%swap3A_38] {strides = array<i32>} : memref<128xf32, #tpu.memory_space<vmem>>, vector<16xf32>,
    tpu.vector_store %arg7[%swap3A_38], %scan3A_27#5 {strides = array<i32>} : memref<128xf32, #tpu.memory_space<vmem>>, vector<16xf32>,
    %swap3A_40 = arith.constant 96 : index
    %swap3A_41 = tpu.vector_load %arg7[%swap3A_40] {strides = array<i32>} : memref<128xf32, #tpu.memory_space<vmem>>, vector<16xf32>,
    tpu.vector_store %arg7[%swap3A_40], %scan3A_27#6 {strides = array<i32>} : memref<128xf32, #tpu.memory_space<vmem>>, vector<16xf32>,
    %swap3A_42 = arith.constant 112 : index
    %swap3A_43 = tpu.vector_load %arg7[%swap3A_42] {strides = array<i32>} : memref<128xf32, #tpu.memory_space<vmem>>, vector<16xf32>,
    tpu.vector_store %arg7[%swap3A_42], %scan3A_27#7 {strides = array<i32>} : memref<128xf32, #tpu.memory_space<vmem>>, vector<16xf32>,
    %mul3A_44 = arith.constant 128 : i32
    %mul3A_45 = arith.muli %add3A, %mul3A_44 : i32
    "tpu.region"() ({
      %run_scoped3A = tpu.sem_alloc : memref<!tpu.dma_semaphore, #tpu.memory_space<semaphore_mem>>
      %dma_start3A_46 = tpu.memref_slice %arg4[%mul3A_45] : memref<4096xf32, #tpu.memory_space<hbm>> -> memref<128xf32, #tpu.memory_space<hbm>>
      %dma_start3A_47 = tpu.memref_slice %arg4[%mul3A_45] : memref<4096xf32, #tpu.memory_space<hbm>> -> memref<128xf32, #tpu.memory_space<hbm>>
      tpu.enqueue_dma source(%arg7 : memref<128xf32, #tpu.memory_space<vmem>>) target(%dma_start3A_47 : memref<128xf32, #tpu.memory_space<hbm>>) target_semaphore(%run_scoped3A : memref<!tpu.dma_semaphore, #tpu.memory_space<semaphore_mem>>)
      %dma_wait3A_48 = tpu.memref_slice %arg4[%mul3A_45] : memref<4096xf32, #tpu.memory_space<hbm>> -> memref<128xf32, #tpu.memory_space<hbm>>
      %dma_wait3A_49 = tpu.memref_slice %arg4[%mul3A_45] : memref<4096xf32, #tpu.memory_space<hbm>> -> memref<128xf32, #tpu.memory_space<hbm>>
      tpu.wait_dma2 semaphore(%run_scoped3A : memref<!tpu.dma_semaphore, #tpu.memory_space<semaphore_mem>>) src(%arg7 : memref<128xf32, #tpu.memory_space<vmem>>) dst(%dma_wait3A_49 : memref<128xf32, #tpu.memory_space<hbm>>)
      tpu.yield
    }) : () -> ()
    return
  }
}

module attributes {stable_mosaic.version = 14 : i64} {
  func.func @_lut_body(%arg0: i32, %arg1: memref<5120x128xf32, #tpu.memory_space<vmem>>, %arg2: memref<128x128xf32, #tpu.memory_space<vmem>>, %arg3: memref<1x128xf32, #tpu.memory_space<vmem>>, %arg4: memref<1x128xf32, #tpu.memory_space<vmem>>, %arg5: memref<1x1xf32, #tpu.memory_space<vmem>>, %arg6: memref<50x4096xi32, #tpu.memory_space<vmem>>, %arg7: memref<80x128xf32, #tpu.memory_space<vmem>>, %arg8: memref<50x32x128xi32, #tpu.memory_space<vmem>>) attributes {dimension_semantics = [#tpu.dimension_semantics<arbitrary>], iteration_bounds = array<i64: 2>, scalar_prefetch = 0 : i64, scratch_operands = 0 : i64, tpu.core_type = #tpu.core_type<tc>, window_params = [{transform_indices = @transform_0, window_bounds = array<i64: 5120, 128>}, {pipeline_mode = #tpu.pipeline_mode<synchronous>, transform_indices = @transform_1, window_bounds = array<i64: 128, 128>}, {pipeline_mode = #tpu.pipeline_mode<synchronous>, transform_indices = @transform_2, window_bounds = array<i64: 1, 128>}, {pipeline_mode = #tpu.pipeline_mode<synchronous>, transform_indices = @transform_3, window_bounds = array<i64: 1, 128>}, {pipeline_mode = #tpu.pipeline_mode<synchronous>, transform_indices = @transform_4, window_bounds = array<i64: 1, 1>}, {pipeline_mode = #tpu.pipeline_mode<synchronous>, transform_indices = @transform_5, window_bounds = array<i64: 50, 4096>}, {pipeline_mode = #tpu.pipeline_mode<synchronous>, transform_indices = @transform_6, window_bounds = array<i64: 80, 128>}, {pipeline_mode = #tpu.pipeline_mode<synchronous>, transform_indices = @transform_7, window_bounds = array<i64: 50, 32, 128>}]} {
    %get3A = arith.constant 0 : index
    %get3A_0 = arith.constant 0 : index
    %get3A_1 = vector.load %arg3[%get3A, %get3A_0] : memref<1x128xf32, #tpu.memory_space<vmem>>, vector<1x128xf32>
    %get3A_2 = arith.constant 0 : index
    %get3A_3 = arith.constant 0 : index
    %get3A_4 = vector.load %arg2[%get3A_2, %get3A_3] : memref<128x128xf32, #tpu.memory_space<vmem>>, vector<128x128xf32>
    %dot_general3A = arith.constant dense<0.000000e+00> : vector<1x128xf32>
    %dot_general3A_5 = tpu.matmul %get3A_1, %get3A_4, %dot_general3A {dimension_numbers = #tpu.dot_dimension_numbers<[1], [0], [0], [1], [0, 0, 1, 1], [], []>, precision = #tpu.contract_precision<fp32>, transpose_lhs_hint = false} : vector<1x128xf32>, vector<128x128xf32>, vector<1x128xf32> -> vector<1x128xf32>
    %get3A_6 = arith.constant 0 : index
    %get3A_7 = arith.constant 0 : index
    %get3A_8 = vector.load %arg1[%get3A_6, %get3A_7] : memref<5120x128xf32, #tpu.memory_space<vmem>>, vector<128x128xf32>
    %dot_general3A_9 = arith.constant dense<0.000000e+00> : vector<1x128xf32>
    %dot_general3A_10 = tpu.matmul %dot_general3A_5, %get3A_8, %dot_general3A_9 {dimension_numbers = #tpu.dot_dimension_numbers<[1], [1], [0], [0], [0, 0, 1, 0], [], []>, transpose_lhs_hint = false} : vector<1x128xf32>, vector<128x128xf32>, vector<1x128xf32> -> vector<1x128xf32>
    %get3A_11 = arith.constant 128 : index
    %get3A_12 = arith.constant 0 : index
    %get3A_13 = vector.load %arg1[%get3A_11, %get3A_12] : memref<5120x128xf32, #tpu.memory_space<vmem>>, vector<128x128xf32>
    %dot_general3A_14 = arith.constant dense<0.000000e+00> : vector<1x128xf32>
    %dot_general3A_15 = tpu.matmul %dot_general3A_5, %get3A_13, %dot_general3A_14 {dimension_numbers = #tpu.dot_dimension_numbers<[1], [1], [0], [0], [0, 0, 1, 0], [], []>, transpose_lhs_hint = false} : vector<1x128xf32>, vector<128x128xf32>, vector<1x128xf32> -> vector<1x128xf32>
    %get3A_16 = arith.constant 256 : index
    %get3A_17 = arith.constant 0 : index
    %get3A_18 = vector.load %arg1[%get3A_16, %get3A_17] : memref<5120x128xf32, #tpu.memory_space<vmem>>, vector<128x128xf32>
    %dot_general3A_19 = arith.constant dense<0.000000e+00> : vector<1x128xf32>
    %dot_general3A_20 = tpu.matmul %dot_general3A_5, %get3A_18, %dot_general3A_19 {dimension_numbers = #tpu.dot_dimension_numbers<[1], [1], [0], [0], [0, 0, 1, 0], [], []>, transpose_lhs_hint = false} : vector<1x128xf32>, vector<128x128xf32>, vector<1x128xf32> -> vector<1x128xf32>
    %get3A_21 = arith.constant 384 : index
    %get3A_22 = arith.constant 0 : index
    %get3A_23 = vector.load %arg1[%get3A_21, %get3A_22] : memref<5120x128xf32, #tpu.memory_space<vmem>>, vector<128x128xf32>
    %dot_general3A_24 = arith.constant dense<0.000000e+00> : vector<1x128xf32>
    %dot_general3A_25 = tpu.matmul %dot_general3A_5, %get3A_23, %dot_general3A_24 {dimension_numbers = #tpu.dot_dimension_numbers<[1], [1], [0], [0], [0, 0, 1, 0], [], []>, transpose_lhs_hint = false} : vector<1x128xf32>, vector<128x128xf32>, vector<1x128xf32> -> vector<1x128xf32>
    %get3A_26 = arith.constant 512 : index
    %get3A_27 = arith.constant 0 : index
    %get3A_28 = vector.load %arg1[%get3A_26, %get3A_27] : memref<5120x128xf32, #tpu.memory_space<vmem>>, vector<128x128xf32>
    %dot_general3A_29 = arith.constant dense<0.000000e+00> : vector<1x128xf32>
    %dot_general3A_30 = tpu.matmul %dot_general3A_5, %get3A_28, %dot_general3A_29 {dimension_numbers = #tpu.dot_dimension_numbers<[1], [1], [0], [0], [0, 0, 1, 0], [], []>, transpose_lhs_hint = false} : vector<1x128xf32>, vector<128x128xf32>, vector<1x128xf32> -> vector<1x128xf32>
    %get3A_31 = arith.constant 640 : index
    %get3A_32 = arith.constant 0 : index
    %get3A_33 = vector.load %arg1[%get3A_31, %get3A_32] : memref<5120x128xf32, #tpu.memory_space<vmem>>, vector<128x128xf32>
    %dot_general3A_34 = arith.constant dense<0.000000e+00> : vector<1x128xf32>
    %dot_general3A_35 = tpu.matmul %dot_general3A_5, %get3A_33, %dot_general3A_34 {dimension_numbers = #tpu.dot_dimension_numbers<[1], [1], [0], [0], [0, 0, 1, 0], [], []>, transpose_lhs_hint = false} : vector<1x128xf32>, vector<128x128xf32>, vector<1x128xf32> -> vector<1x128xf32>
    %get3A_36 = arith.constant 768 : index
    %get3A_37 = arith.constant 0 : index
    %get3A_38 = vector.load %arg1[%get3A_36, %get3A_37] : memref<5120x128xf32, #tpu.memory_space<vmem>>, vector<128x128xf32>
    %dot_general3A_39 = arith.constant dense<0.000000e+00> : vector<1x128xf32>
    %dot_general3A_40 = tpu.matmul %dot_general3A_5, %get3A_38, %dot_general3A_39 {dimension_numbers = #tpu.dot_dimension_numbers<[1], [1], [0], [0], [0, 0, 1, 0], [], []>, transpose_lhs_hint = false} : vector<1x128xf32>, vector<128x128xf32>, vector<1x128xf32> -> vector<1x128xf32>
    %get3A_41 = arith.constant 896 : index
    %get3A_42 = arith.constant 0 : index
    %get3A_43 = vector.load %arg1[%get3A_41, %get3A_42] : memref<5120x128xf32, #tpu.memory_space<vmem>>, vector<128x128xf32>
    %dot_general3A_44 = arith.constant dense<0.000000e+00> : vector<1x128xf32>
    %dot_general3A_45 = tpu.matmul %dot_general3A_5, %get3A_43, %dot_general3A_44 {dimension_numbers = #tpu.dot_dimension_numbers<[1], [1], [0], [0], [0, 0, 1, 0], [], []>, transpose_lhs_hint = false} : vector<1x128xf32>, vector<128x128xf32>, vector<1x128xf32> -> vector<1x128xf32>
    %get3A_46 = arith.constant 1024 : index
    %get3A_47 = arith.constant 0 : index
    %get3A_48 = vector.load %arg1[%get3A_46, %get3A_47] : memref<5120x128xf32, #tpu.memory_space<vmem>>, vector<128x128xf32>
    %dot_general3A_49 = arith.constant dense<0.000000e+00> : vector<1x128xf32>
    %dot_general3A_50 = tpu.matmul %dot_general3A_5, %get3A_48, %dot_general3A_49 {dimension_numbers = #tpu.dot_dimension_numbers<[1], [1], [0], [0], [0, 0, 1, 0], [], []>, transpose_lhs_hint = false} : vector<1x128xf32>, vector<128x128xf32>, vector<1x128xf32> -> vector<1x128xf32>
    %get3A_51 = arith.constant 1152 : index
    %get3A_52 = arith.constant 0 : index
    %get3A_53 = vector.load %arg1[%get3A_51, %get3A_52] : memref<5120x128xf32, #tpu.memory_space<vmem>>, vector<128x128xf32>
    %dot_general3A_54 = arith.constant dense<0.000000e+00> : vector<1x128xf32>
    %dot_general3A_55 = tpu.matmul %dot_general3A_5, %get3A_53, %dot_general3A_54 {dimension_numbers = #tpu.dot_dimension_numbers<[1], [1], [0], [0], [0, 0, 1, 0], [], []>, transpose_lhs_hint = false} : vector<1x128xf32>, vector<128x128xf32>, vector<1x128xf32> -> vector<1x128xf32>
    %get3A_56 = arith.constant 1280 : index
    %get3A_57 = arith.constant 0 : index
    %get3A_58 = vector.load %arg1[%get3A_56, %get3A_57] : memref<5120x128xf32, #tpu.memory_space<vmem>>, vector<128x128xf32>
    %dot_general3A_59 = arith.constant dense<0.000000e+00> : vector<1x128xf32>
    %dot_general3A_60 = tpu.matmul %dot_general3A_5, %get3A_58, %dot_general3A_59 {dimension_numbers = #tpu.dot_dimension_numbers<[1], [1], [0], [0], [0, 0, 1, 0], [], []>, transpose_lhs_hint = false} : vector<1x128xf32>, vector<128x128xf32>, vector<1x128xf32> -> vector<1x128xf32>
    %get3A_61 = arith.constant 1408 : index
    %get3A_62 = arith.constant 0 : index
    %get3A_63 = vector.load %arg1[%get3A_61, %get3A_62] : memref<5120x128xf32, #tpu.memory_space<vmem>>, vector<128x128xf32>
    %dot_general3A_64 = arith.constant dense<0.000000e+00> : vector<1x128xf32>
    %dot_general3A_65 = tpu.matmul %dot_general3A_5, %get3A_63, %dot_general3A_64 {dimension_numbers = #tpu.dot_dimension_numbers<[1], [1], [0], [0], [0, 0, 1, 0], [], []>, transpose_lhs_hint = false} : vector<1x128xf32>, vector<128x128xf32>, vector<1x128xf32> -> vector<1x128xf32>
    %get3A_66 = arith.constant 1536 : index
    %get3A_67 = arith.constant 0 : index
    %get3A_68 = vector.load %arg1[%get3A_66, %get3A_67] : memref<5120x128xf32, #tpu.memory_space<vmem>>, vector<128x128xf32>
    %dot_general3A_69 = arith.constant dense<0.000000e+00> : vector<1x128xf32>
    %dot_general3A_70 = tpu.matmul %dot_general3A_5, %get3A_68, %dot_general3A_69 {dimension_numbers = #tpu.dot_dimension_numbers<[1], [1], [0], [0], [0, 0, 1, 0], [], []>, transpose_lhs_hint = false} : vector<1x128xf32>, vector<128x128xf32>, vector<1x128xf32> -> vector<1x128xf32>
    %get3A_71 = arith.constant 1664 : index
    %get3A_72 = arith.constant 0 : index
    %get3A_73 = vector.load %arg1[%get3A_71, %get3A_72] : memref<5120x128xf32, #tpu.memory_space<vmem>>, vector<128x128xf32>
    %dot_general3A_74 = arith.constant dense<0.000000e+00> : vector<1x128xf32>
    %dot_general3A_75 = tpu.matmul %dot_general3A_5, %get3A_73, %dot_general3A_74 {dimension_numbers = #tpu.dot_dimension_numbers<[1], [1], [0], [0], [0, 0, 1, 0], [], []>, transpose_lhs_hint = false} : vector<1x128xf32>, vector<128x128xf32>, vector<1x128xf32> -> vector<1x128xf32>
    %get3A_76 = arith.constant 1792 : index
    %get3A_77 = arith.constant 0 : index
    %get3A_78 = vector.load %arg1[%get3A_76, %get3A_77] : memref<5120x128xf32, #tpu.memory_space<vmem>>, vector<128x128xf32>
    %dot_general3A_79 = arith.constant dense<0.000000e+00> : vector<1x128xf32>
    %dot_general3A_80 = tpu.matmul %dot_general3A_5, %get3A_78, %dot_general3A_79 {dimension_numbers = #tpu.dot_dimension_numbers<[1], [1], [0], [0], [0, 0, 1, 0], [], []>, transpose_lhs_hint = false} : vector<1x128xf32>, vector<128x128xf32>, vector<1x128xf32> -> vector<1x128xf32>
    %get3A_81 = arith.constant 1920 : index
    %get3A_82 = arith.constant 0 : index
    %get3A_83 = vector.load %arg1[%get3A_81, %get3A_82] : memref<5120x128xf32, #tpu.memory_space<vmem>>, vector<128x128xf32>
    %dot_general3A_84 = arith.constant dense<0.000000e+00> : vector<1x128xf32>
    %dot_general3A_85 = tpu.matmul %dot_general3A_5, %get3A_83, %dot_general3A_84 {dimension_numbers = #tpu.dot_dimension_numbers<[1], [1], [0], [0], [0, 0, 1, 0], [], []>, transpose_lhs_hint = false} : vector<1x128xf32>, vector<128x128xf32>, vector<1x128xf32> -> vector<1x128xf32>
    %get3A_86 = arith.constant 2048 : index
    %get3A_87 = arith.constant 0 : index
    %get3A_88 = vector.load %arg1[%get3A_86, %get3A_87] : memref<5120x128xf32, #tpu.memory_space<vmem>>, vector<128x128xf32>
    %dot_general3A_89 = arith.constant dense<0.000000e+00> : vector<1x128xf32>
    %dot_general3A_90 = tpu.matmul %dot_general3A_5, %get3A_88, %dot_general3A_89 {dimension_numbers = #tpu.dot_dimension_numbers<[1], [1], [0], [0], [0, 0, 1, 0], [], []>, transpose_lhs_hint = false} : vector<1x128xf32>, vector<128x128xf32>, vector<1x128xf32> -> vector<1x128xf32>
    %get3A_91 = arith.constant 2176 : index
    %get3A_92 = arith.constant 0 : index
    %get3A_93 = vector.load %arg1[%get3A_91, %get3A_92] : memref<5120x128xf32, #tpu.memory_space<vmem>>, vector<128x128xf32>
    %dot_general3A_94 = arith.constant dense<0.000000e+00> : vector<1x128xf32>
    %dot_general3A_95 = tpu.matmul %dot_general3A_5, %get3A_93, %dot_general3A_94 {dimension_numbers = #tpu.dot_dimension_numbers<[1], [1], [0], [0], [0, 0, 1, 0], [], []>, transpose_lhs_hint = false} : vector<1x128xf32>, vector<128x128xf32>, vector<1x128xf32> -> vector<1x128xf32>
    %get3A_96 = arith.constant 2304 : index
    %get3A_97 = arith.constant 0 : index
    %get3A_98 = vector.load %arg1[%get3A_96, %get3A_97] : memref<5120x128xf32, #tpu.memory_space<vmem>>, vector<128x128xf32>
    %dot_general3A_99 = arith.constant dense<0.000000e+00> : vector<1x128xf32>
    %dot_general3A_100 = tpu.matmul %dot_general3A_5, %get3A_98, %dot_general3A_99 {dimension_numbers = #tpu.dot_dimension_numbers<[1], [1], [0], [0], [0, 0, 1, 0], [], []>, transpose_lhs_hint = false} : vector<1x128xf32>, vector<128x128xf32>, vector<1x128xf32> -> vector<1x128xf32>
    %get3A_101 = arith.constant 2432 : index
    %get3A_102 = arith.constant 0 : index
    %get3A_103 = vector.load %arg1[%get3A_101, %get3A_102] : memref<5120x128xf32, #tpu.memory_space<vmem>>, vector<128x128xf32>
    %dot_general3A_104 = arith.constant dense<0.000000e+00> : vector<1x128xf32>
    %dot_general3A_105 = tpu.matmul %dot_general3A_5, %get3A_103, %dot_general3A_104 {dimension_numbers = #tpu.dot_dimension_numbers<[1], [1], [0], [0], [0, 0, 1, 0], [], []>, transpose_lhs_hint = false} : vector<1x128xf32>, vector<128x128xf32>, vector<1x128xf32> -> vector<1x128xf32>
    %get3A_106 = arith.constant 2560 : index
    %get3A_107 = arith.constant 0 : index
    %get3A_108 = vector.load %arg1[%get3A_106, %get3A_107] : memref<5120x128xf32, #tpu.memory_space<vmem>>, vector<128x128xf32>
    %dot_general3A_109 = arith.constant dense<0.000000e+00> : vector<1x128xf32>
    %dot_general3A_110 = tpu.matmul %dot_general3A_5, %get3A_108, %dot_general3A_109 {dimension_numbers = #tpu.dot_dimension_numbers<[1], [1], [0], [0], [0, 0, 1, 0], [], []>, transpose_lhs_hint = false} : vector<1x128xf32>, vector<128x128xf32>, vector<1x128xf32> -> vector<1x128xf32>
    %get3A_111 = arith.constant 2688 : index
    %get3A_112 = arith.constant 0 : index
    %get3A_113 = vector.load %arg1[%get3A_111, %get3A_112] : memref<5120x128xf32, #tpu.memory_space<vmem>>, vector<128x128xf32>
    %dot_general3A_114 = arith.constant dense<0.000000e+00> : vector<1x128xf32>
    %dot_general3A_115 = tpu.matmul %dot_general3A_5, %get3A_113, %dot_general3A_114 {dimension_numbers = #tpu.dot_dimension_numbers<[1], [1], [0], [0], [0, 0, 1, 0], [], []>, transpose_lhs_hint = false} : vector<1x128xf32>, vector<128x128xf32>, vector<1x128xf32> -> vector<1x128xf32>
    %get3A_116 = arith.constant 2816 : index
    %get3A_117 = arith.constant 0 : index
    %get3A_118 = vector.load %arg1[%get3A_116, %get3A_117] : memref<5120x128xf32, #tpu.memory_space<vmem>>, vector<128x128xf32>
    %dot_general3A_119 = arith.constant dense<0.000000e+00> : vector<1x128xf32>
    %dot_general3A_120 = tpu.matmul %dot_general3A_5, %get3A_118, %dot_general3A_119 {dimension_numbers = #tpu.dot_dimension_numbers<[1], [1], [0], [0], [0, 0, 1, 0], [], []>, transpose_lhs_hint = false} : vector<1x128xf32>, vector<128x128xf32>, vector<1x128xf32> -> vector<1x128xf32>
    %get3A_121 = arith.constant 2944 : index
    %get3A_122 = arith.constant 0 : index
    %get3A_123 = vector.load %arg1[%get3A_121, %get3A_122] : memref<5120x128xf32, #tpu.memory_space<vmem>>, vector<128x128xf32>
    %dot_general3A_124 = arith.constant dense<0.000000e+00> : vector<1x128xf32>
    %dot_general3A_125 = tpu.matmul %dot_general3A_5, %get3A_123, %dot_general3A_124 {dimension_numbers = #tpu.dot_dimension_numbers<[1], [1], [0], [0], [0, 0, 1, 0], [], []>, transpose_lhs_hint = false} : vector<1x128xf32>, vector<128x128xf32>, vector<1x128xf32> -> vector<1x128xf32>
    %get3A_126 = arith.constant 3072 : index
    %get3A_127 = arith.constant 0 : index
    %get3A_128 = vector.load %arg1[%get3A_126, %get3A_127] : memref<5120x128xf32, #tpu.memory_space<vmem>>, vector<128x128xf32>
    %dot_general3A_129 = arith.constant dense<0.000000e+00> : vector<1x128xf32>
    %dot_general3A_130 = tpu.matmul %dot_general3A_5, %get3A_128, %dot_general3A_129 {dimension_numbers = #tpu.dot_dimension_numbers<[1], [1], [0], [0], [0, 0, 1, 0], [], []>, transpose_lhs_hint = false} : vector<1x128xf32>, vector<128x128xf32>, vector<1x128xf32> -> vector<1x128xf32>
    %get3A_131 = arith.constant 3200 : index
    %get3A_132 = arith.constant 0 : index
    %get3A_133 = vector.load %arg1[%get3A_131, %get3A_132] : memref<5120x128xf32, #tpu.memory_space<vmem>>, vector<128x128xf32>
    %dot_general3A_134 = arith.constant dense<0.000000e+00> : vector<1x128xf32>
    %dot_general3A_135 = tpu.matmul %dot_general3A_5, %get3A_133, %dot_general3A_134 {dimension_numbers = #tpu.dot_dimension_numbers<[1], [1], [0], [0], [0, 0, 1, 0], [], []>, transpose_lhs_hint = false} : vector<1x128xf32>, vector<128x128xf32>, vector<1x128xf32> -> vector<1x128xf32>
    %get3A_136 = arith.constant 3328 : index
    %get3A_137 = arith.constant 0 : index
    %get3A_138 = vector.load %arg1[%get3A_136, %get3A_137] : memref<5120x128xf32, #tpu.memory_space<vmem>>, vector<128x128xf32>
    %dot_general3A_139 = arith.constant dense<0.000000e+00> : vector<1x128xf32>
    %dot_general3A_140 = tpu.matmul %dot_general3A_5, %get3A_138, %dot_general3A_139 {dimension_numbers = #tpu.dot_dimension_numbers<[1], [1], [0], [0], [0, 0, 1, 0], [], []>, transpose_lhs_hint = false} : vector<1x128xf32>, vector<128x128xf32>, vector<1x128xf32> -> vector<1x128xf32>
    %get3A_141 = arith.constant 3456 : index
    %get3A_142 = arith.constant 0 : index
    %get3A_143 = vector.load %arg1[%get3A_141, %get3A_142] : memref<5120x128xf32, #tpu.memory_space<vmem>>, vector<128x128xf32>
    %dot_general3A_144 = arith.constant dense<0.000000e+00> : vector<1x128xf32>
    %dot_general3A_145 = tpu.matmul %dot_general3A_5, %get3A_143, %dot_general3A_144 {dimension_numbers = #tpu.dot_dimension_numbers<[1], [1], [0], [0], [0, 0, 1, 0], [], []>, transpose_lhs_hint = false} : vector<1x128xf32>, vector<128x128xf32>, vector<1x128xf32> -> vector<1x128xf32>
    %get3A_146 = arith.constant 3584 : index
    %get3A_147 = arith.constant 0 : index
    %get3A_148 = vector.load %arg1[%get3A_146, %get3A_147] : memref<5120x128xf32, #tpu.memory_space<vmem>>, vector<128x128xf32>
    %dot_general3A_149 = arith.constant dense<0.000000e+00> : vector<1x128xf32>
    %dot_general3A_150 = tpu.matmul %dot_general3A_5, %get3A_148, %dot_general3A_149 {dimension_numbers = #tpu.dot_dimension_numbers<[1], [1], [0], [0], [0, 0, 1, 0], [], []>, transpose_lhs_hint = false} : vector<1x128xf32>, vector<128x128xf32>, vector<1x128xf32> -> vector<1x128xf32>
    %get3A_151 = arith.constant 3712 : index
    %get3A_152 = arith.constant 0 : index
    %get3A_153 = vector.load %arg1[%get3A_151, %get3A_152] : memref<5120x128xf32, #tpu.memory_space<vmem>>, vector<128x128xf32>
    %dot_general3A_154 = arith.constant dense<0.000000e+00> : vector<1x128xf32>
    %dot_general3A_155 = tpu.matmul %dot_general3A_5, %get3A_153, %dot_general3A_154 {dimension_numbers = #tpu.dot_dimension_numbers<[1], [1], [0], [0], [0, 0, 1, 0], [], []>, transpose_lhs_hint = false} : vector<1x128xf32>, vector<128x128xf32>, vector<1x128xf32> -> vector<1x128xf32>
    %get3A_156 = arith.constant 3840 : index
    %get3A_157 = arith.constant 0 : index
    %get3A_158 = vector.load %arg1[%get3A_156, %get3A_157] : memref<5120x128xf32, #tpu.memory_space<vmem>>, vector<128x128xf32>
    %dot_general3A_159 = arith.constant dense<0.000000e+00> : vector<1x128xf32>
    %dot_general3A_160 = tpu.matmul %dot_general3A_5, %get3A_158, %dot_general3A_159 {dimension_numbers = #tpu.dot_dimension_numbers<[1], [1], [0], [0], [0, 0, 1, 0], [], []>, transpose_lhs_hint = false} : vector<1x128xf32>, vector<128x128xf32>, vector<1x128xf32> -> vector<1x128xf32>
    %get3A_161 = arith.constant 3968 : index
    %get3A_162 = arith.constant 0 : index
    %get3A_163 = vector.load %arg1[%get3A_161, %get3A_162] : memref<5120x128xf32, #tpu.memory_space<vmem>>, vector<128x128xf32>
    %dot_general3A_164 = arith.constant dense<0.000000e+00> : vector<1x128xf32>
    %dot_general3A_165 = tpu.matmul %dot_general3A_5, %get3A_163, %dot_general3A_164 {dimension_numbers = #tpu.dot_dimension_numbers<[1], [1], [0], [0], [0, 0, 1, 0], [], []>, transpose_lhs_hint = false} : vector<1x128xf32>, vector<128x128xf32>, vector<1x128xf32> -> vector<1x128xf32>
    %get3A_166 = arith.constant 4096 : index
    %get3A_167 = arith.constant 0 : index
    %get3A_168 = vector.load %arg1[%get3A_166, %get3A_167] : memref<5120x128xf32, #tpu.memory_space<vmem>>, vector<128x128xf32>
    %dot_general3A_169 = arith.constant dense<0.000000e+00> : vector<1x128xf32>
    %dot_general3A_170 = tpu.matmul %dot_general3A_5, %get3A_168, %dot_general3A_169 {dimension_numbers = #tpu.dot_dimension_numbers<[1], [1], [0], [0], [0, 0, 1, 0], [], []>, transpose_lhs_hint = false} : vector<1x128xf32>, vector<128x128xf32>, vector<1x128xf32> -> vector<1x128xf32>
    %get3A_171 = arith.constant 4224 : index
    %get3A_172 = arith.constant 0 : index
    %get3A_173 = vector.load %arg1[%get3A_171, %get3A_172] : memref<5120x128xf32, #tpu.memory_space<vmem>>, vector<128x128xf32>
    %dot_general3A_174 = arith.constant dense<0.000000e+00> : vector<1x128xf32>
    %dot_general3A_175 = tpu.matmul %dot_general3A_5, %get3A_173, %dot_general3A_174 {dimension_numbers = #tpu.dot_dimension_numbers<[1], [1], [0], [0], [0, 0, 1, 0], [], []>, transpose_lhs_hint = false} : vector<1x128xf32>, vector<128x128xf32>, vector<1x128xf32> -> vector<1x128xf32>
    %get3A_176 = arith.constant 4352 : index
    %get3A_177 = arith.constant 0 : index
    %get3A_178 = vector.load %arg1[%get3A_176, %get3A_177] : memref<5120x128xf32, #tpu.memory_space<vmem>>, vector<128x128xf32>
    %dot_general3A_179 = arith.constant dense<0.000000e+00> : vector<1x128xf32>
    %dot_general3A_180 = tpu.matmul %dot_general3A_5, %get3A_178, %dot_general3A_179 {dimension_numbers = #tpu.dot_dimension_numbers<[1], [1], [0], [0], [0, 0, 1, 0], [], []>, transpose_lhs_hint = false} : vector<1x128xf32>, vector<128x128xf32>, vector<1x128xf32> -> vector<1x128xf32>
    %get3A_181 = arith.constant 4480 : index
    %get3A_182 = arith.constant 0 : index
    %get3A_183 = vector.load %arg1[%get3A_181, %get3A_182] : memref<5120x128xf32, #tpu.memory_space<vmem>>, vector<128x128xf32>
    %dot_general3A_184 = arith.constant dense<0.000000e+00> : vector<1x128xf32>
    %dot_general3A_185 = tpu.matmul %dot_general3A_5, %get3A_183, %dot_general3A_184 {dimension_numbers = #tpu.dot_dimension_numbers<[1], [1], [0], [0], [0, 0, 1, 0], [], []>, transpose_lhs_hint = false} : vector<1x128xf32>, vector<128x128xf32>, vector<1x128xf32> -> vector<1x128xf32>
    %get3A_186 = arith.constant 4608 : index
    %get3A_187 = arith.constant 0 : index
    %get3A_188 = vector.load %arg1[%get3A_186, %get3A_187] : memref<5120x128xf32, #tpu.memory_space<vmem>>, vector<128x128xf32>
    %dot_general3A_189 = arith.constant dense<0.000000e+00> : vector<1x128xf32>
    %dot_general3A_190 = tpu.matmul %dot_general3A_5, %get3A_188, %dot_general3A_189 {dimension_numbers = #tpu.dot_dimension_numbers<[1], [1], [0], [0], [0, 0, 1, 0], [], []>, transpose_lhs_hint = false} : vector<1x128xf32>, vector<128x128xf32>, vector<1x128xf32> -> vector<1x128xf32>
    %get3A_191 = arith.constant 4736 : index
    %get3A_192 = arith.constant 0 : index
    %get3A_193 = vector.load %arg1[%get3A_191, %get3A_192] : memref<5120x128xf32, #tpu.memory_space<vmem>>, vector<128x128xf32>
    %dot_general3A_194 = arith.constant dense<0.000000e+00> : vector<1x128xf32>
    %dot_general3A_195 = tpu.matmul %dot_general3A_5, %get3A_193, %dot_general3A_194 {dimension_numbers = #tpu.dot_dimension_numbers<[1], [1], [0], [0], [0, 0, 1, 0], [], []>, transpose_lhs_hint = false} : vector<1x128xf32>, vector<128x128xf32>, vector<1x128xf32> -> vector<1x128xf32>
    %get3A_196 = arith.constant 4864 : index
    %get3A_197 = arith.constant 0 : index
    %get3A_198 = vector.load %arg1[%get3A_196, %get3A_197] : memref<5120x128xf32, #tpu.memory_space<vmem>>, vector<128x128xf32>
    %dot_general3A_199 = arith.constant dense<0.000000e+00> : vector<1x128xf32>
    %dot_general3A_200 = tpu.matmul %dot_general3A_5, %get3A_198, %dot_general3A_199 {dimension_numbers = #tpu.dot_dimension_numbers<[1], [1], [0], [0], [0, 0, 1, 0], [], []>, transpose_lhs_hint = false} : vector<1x128xf32>, vector<128x128xf32>, vector<1x128xf32> -> vector<1x128xf32>
    %get3A_201 = arith.constant 4992 : index
    %get3A_202 = arith.constant 0 : index
    %get3A_203 = vector.load %arg1[%get3A_201, %get3A_202] : memref<5120x128xf32, #tpu.memory_space<vmem>>, vector<128x128xf32>
    %dot_general3A_204 = arith.constant dense<0.000000e+00> : vector<1x128xf32>
    %dot_general3A_205 = tpu.matmul %dot_general3A_5, %get3A_203, %dot_general3A_204 {dimension_numbers = #tpu.dot_dimension_numbers<[1], [1], [0], [0], [0, 0, 1, 0], [], []>, transpose_lhs_hint = false} : vector<1x128xf32>, vector<128x128xf32>, vector<1x128xf32> -> vector<1x128xf32>
    %concatenate3A = tpu.concatenate %dot_general3A_10, %dot_general3A_15, %dot_general3A_20, %dot_general3A_25, %dot_general3A_30, %dot_general3A_35, %dot_general3A_40, %dot_general3A_45, %dot_general3A_50, %dot_general3A_55, %dot_general3A_60, %dot_general3A_65, %dot_general3A_70, %dot_general3A_75, %dot_general3A_80, %dot_general3A_85, %dot_general3A_90, %dot_general3A_95, %dot_general3A_100, %dot_general3A_105, %dot_general3A_110, %dot_general3A_115, %dot_general3A_120, %dot_general3A_125, %dot_general3A_130, %dot_general3A_135, %dot_general3A_140, %dot_general3A_145, %dot_general3A_150, %dot_general3A_155, %dot_general3A_160, %dot_general3A_165, %dot_general3A_170, %dot_general3A_175, %dot_general3A_180, %dot_general3A_185, %dot_general3A_190, %dot_general3A_195, %dot_general3A_200, %dot_general3A_205 in 0 : vector<1x128xf32>, vector<1x128xf32>, vector<1x128xf32>, vector<1x128xf32>, vector<1x128xf32>, vector<1x128xf32>, vector<1x128xf32>, vector<1x128xf32>, vector<1x128xf32>, vector<1x128xf32>, vector<1x128xf32>, vector<1x128xf32>, vector<1x128xf32>, vector<1x128xf32>, vector<1x128xf32>, vector<1x128xf32>, vector<1x128xf32>, vector<1x128xf32>, vector<1x128xf32>, vector<1x128xf32>, vector<1x128xf32>, vector<1x128xf32>, vector<1x128xf32>, vector<1x128xf32>, vector<1x128xf32>, vector<1x128xf32>, vector<1x128xf32>, vector<1x128xf32>, vector<1x128xf32>, vector<1x128xf32>, vector<1x128xf32>, vector<1x128xf32>, vector<1x128xf32>, vector<1x128xf32>, vector<1x128xf32>, vector<1x128xf32>, vector<1x128xf32>, vector<1x128xf32>, vector<1x128xf32>, vector<1x128xf32> -> vector<40x128xf32>
    %get3A_206 = arith.constant 0 : index
    %get3A_207 = arith.constant 0 : index
    %get3A_208 = vector.load %arg4[%get3A_206, %get3A_207] : memref<1x128xf32, #tpu.memory_space<vmem>>, vector<1x128xf32>
    %get3A_209 = arith.constant 0 : index
    %get3A_210 = arith.constant 0 : index
    %get3A_211 = vector.load %arg3[%get3A_209, %get3A_210] : memref<1x128xf32, #tpu.memory_space<vmem>>, vector<1x128xf32>
    %mul3A = arith.mulf %get3A_208, %get3A_211 : vector<1x128xf32>
    %reduce_sum3A = vector.shape_cast %mul3A : vector<1x128xf32> to vector<1x1x128xf32>
    %reduce_sum3A_212 = arith.constant dense<0.000000e+00> : vector<1xf32>
    %reduce_sum3A_213 = vector.multi_reduction <add>, %reduce_sum3A, %reduce_sum3A_212 [1, 2] : vector<1x1x128xf32> to vector<1xf32>
    %reduce_sum3A_214 = vector.shape_cast %reduce_sum3A_213 : vector<1xf32> to vector<1x1x1xf32>
    %reduce_sum3A_215 = vector.extract %reduce_sum3A_214[0, 0, 0] : f32 from vector<1x1x1xf32>
    %get3A_216 = arith.constant 0 : index
    %get3A_217 = arith.constant 0 : index
    %get3A_218 = vector.load %arg5[%get3A_216, %get3A_217] : memref<1x1xf32, #tpu.memory_space<vmem>>, vector<1x1xf32>
    %get3A_219 = vector.extract %get3A_218[0, 0] : f32 from vector<1x1xf32>
    %add3A = arith.addf %reduce_sum3A_215, %get3A_219 : f32
    %add3A_220 = vector.broadcast %add3A : f32 to vector<40x128xf32>
    %add3A_221 = arith.addf %concatenate3A, %add3A_220 : vector<40x128xf32>
    %mul3A_222 = arith.constant 2.000000e-02 : f32
    %mul3A_223 = vector.broadcast %mul3A_222 : f32 to vector<40x128xf32>
    %mul3A_224 = arith.mulf %add3A_221, %mul3A_223 : vector<40x128xf32>
    %mul3A_225 = arith.constant 40 : i32
    %mul3A_226 = arith.muli %arg0, %mul3A_225 : i32
    %swap3A = arith.index_cast %mul3A_226 : i32 to index
    %swap3A_227 = arith.constant 0 : index
    %swap3A_228 = vector.load %arg7[%swap3A, %swap3A_227] : memref<80x128xf32, #tpu.memory_space<vmem>>, vector<40x128xf32>
    tpu.vector_store %arg7[%swap3A, %swap3A_227], %mul3A_224 {strides = array<i32>} : memref<80x128xf32, #tpu.memory_space<vmem>>, vector<40x128xf32>,
    %eq3A = arith.constant 0 : i32
    %eq3A_229 = arith.cmpi eq, %arg0, %eq3A : i32
    %convert_element_type3A = arith.extui %eq3A_229 : i1 to i32
    %cond3A = arith.constant 0 : i32
    %cond3A_230 = arith.cmpi ne, %convert_element_type3A, %cond3A : i32
    scf.if %cond3A_230 {
      %get3A_231 = arith.constant 0 : index
      %get3A_232 = arith.constant 0 : index
      %get3A_233 = vector.load %arg6[%get3A_231, %get3A_232] : memref<50x4096xi32, #tpu.memory_space<vmem>>, vector<50x4096xi32>
      %reshape3A = vector.shape_cast %get3A_233 : vector<50x4096xi32> to vector<50x32x128xi32>
      %swap3A_234 = arith.constant 0 : index
      %swap3A_235 = arith.constant 0 : index
      %swap3A_236 = arith.constant 0 : index
      %swap3A_237 = vector.load %arg8[%swap3A_234, %swap3A_235, %swap3A_236] : memref<50x32x128xi32, #tpu.memory_space<vmem>>, vector<50x32x128xi32>
      tpu.vector_store %arg8[%swap3A_234, %swap3A_235, %swap3A_236], %reshape3A {strides = array<i32>} : memref<50x32x128xi32, #tpu.memory_space<vmem>>, vector<50x32x128xi32>,
    } else {
    }
    return
  }
  func.func @transform_0(%arg0: i32) -> (i32, i32) {
    %c0_i32 = arith.constant 0 : i32
    %c0_i32_0 = arith.constant 0 : i32
    return %arg0, %c0_i32 : i32, i32
  }
  func.func @transform_1(%arg0: i32) -> (i32, i32) {
    %c0_i32 = arith.constant 0 : i32
    %c0_i32_0 = arith.constant 0 : i32
    %c0_i32_1 = arith.constant 0 : i32
    return %c0_i32, %c0_i32_0 : i32, i32
  }
  func.func @transform_2(%arg0: i32) -> (i32, i32) {
    %c0_i32 = arith.constant 0 : i32
    %c0_i32_0 = arith.constant 0 : i32
    %c0_i32_1 = arith.constant 0 : i32
    return %c0_i32, %c0_i32_0 : i32, i32
  }
  func.func @transform_3(%arg0: i32) -> (i32, i32) {
    %c0_i32 = arith.constant 0 : i32
    %c0_i32_0 = arith.constant 0 : i32
    %c0_i32_1 = arith.constant 0 : i32
    return %c0_i32, %c0_i32_0 : i32, i32
  }
  func.func @transform_4(%arg0: i32) -> (i32, i32) {
    %c0_i32 = arith.constant 0 : i32
    %c0_i32_0 = arith.constant 0 : i32
    %c0_i32_1 = arith.constant 0 : i32
    return %c0_i32, %c0_i32_0 : i32, i32
  }
  func.func @transform_5(%arg0: i32) -> (i32, i32) {
    %c0_i32 = arith.constant 0 : i32
    %c0_i32_0 = arith.constant 0 : i32
    %c0_i32_1 = arith.constant 0 : i32
    return %c0_i32, %c0_i32_0 : i32, i32
  }
  func.func @transform_6(%arg0: i32) -> (i32, i32) {
    %c0_i32 = arith.constant 0 : i32
    %c0_i32_0 = arith.constant 0 : i32
    %c0_i32_1 = arith.constant 0 : i32
    return %c0_i32, %c0_i32_0 : i32, i32
  }
  func.func @transform_7(%arg0: i32) -> (i32, i32, i32) {
    %c0_i32 = arith.constant 0 : i32
    %c0_i32_0 = arith.constant 0 : i32
    %c0_i32_1 = arith.constant 0 : i32
    %c0_i32_2 = arith.constant 0 : i32
    return %c0_i32, %c0_i32_0, %c0_i32_1 : i32, i32, i32
  }
}

</mosaic_0001>

<sc_bundles>
// kernel: kernel.4.cloned.1.call-start
scs
__scs_entry_jumppad:
0x0: {  	(pc) =	sbr.rel $0x88, $3  }
0x1: {  	(tag) =	ssettag $0x0;
	lr =	simm.s32 $0x1  }
0x2: {  	[smem:$0x3F9B] =	sst lr;
	_ =	strace $0xD0000000  }
0x3: {  	_ = 	snop  }
0x4: {  	_ = 	snop  }
0x5: {  	_ = 	snop  }
0x6: {  	_ = 	snop  }
0x7: {  	_ = 	snop  }
__scs_overlays_trampoline_lowered:
0x8: {  	[smem:$0x3FAA] =	sst s0  }
0x9: {  	[smem:$0x3FAB] =	sst s1  }
0xa: {  	[smem:$0x3FAC] =	sst s2  }
0xb: {  	[smem:$0x3FAD] =	sst s3  }
0xc: {  	[smem:$0x3FAE] =	sst s4  }
0xd: {  	[smem:$0x3FAF] =	sst s5  }
0xe: {  	[smem:$0x3FB0] =	sst s6  }
0xf: {  	[smem:$0x3FB1] =	sst s7  }
0x10: {  	[smem:$0x3FB2] =	sst s8  }
0x11: {  	[smem:$0x3FB3] =	sst s9;
	s0 =	simm.s32 @!p0 $0x0  }
0x12: {  	s1 =	sld [smem:$0x3F99];
	s0 =	simm.s32 @p0 $0x1  }
0x13: {  	[smem:$0x3FB4] =	sst s0;
	s0 =	simm.s32 @!p1 $0x0  }
0x14: {  	s2 =	sld [smem:$0x3F98];
	s0 =	simm.s32 @p1 $0x1  }
0x15: {  	[smem:$0x3FB5] =	sst s0;
	s0 =	simm.s32 @!p2 $0x0  }
0x16: {  	s3 =	sld [smem:$0x3FDB];
	s0 =	simm.s32 @p2 $0x1  }
0x17: {  	s4 =	simm.s32 $0x1BF5;
	[smem:$0x3FB7] =	sst s0  }
0x18: {  	s0 =	sld [smem:$0x3F9A];
	_ =	swait.ge [sflag:s4], $0x0  }
0x19: {  	s7 =	sld [smem:$0x3F9B]  }
0x1a: {  	s8 =	sadd.s32 $0xFFFFE003, lr  }
0x1b: {  	s9 =	sadd.s32 $0xFFFFFEF7, lr;
	s5 =	simm.s32 $0xFFFFFFFF;
	p2 =	slt.u32 s8, $0xFFFFF086  }
0x1c: {  	p1 =	slt.u32 s9, $0xF7A;
	s5 =	simm.s32 @!p2 $0x0  }
0x1d: {  	s5 =	simm.s32 @p1 $0x1;
	p0 =	seq.s32 s7, s2  }
0x1e: {  	s7 =	smul.u32 @!p0 $0xF7A, s2;
	p2 =	seq.s32 @!p0 s5, $0x0  }
0x1f: {  	s9 =	smul.u32 $0xF7A, s1;
	s8 =	simm.s32 @!p0 $0x1BF5;
	p2 =	por !p2, p0  }
0x20: {  	[sflag:s8] =	ssyncset.s32 @!p0 $0xFFFFF086;
	s6 =	sadd.s32 @!p0 s3, s7;
	s7 =	simm.s32 @!p0 $0x108  }
0x21: {  	s3 =	sadd.s32 s3, s9;
	s6 =	sadd.s32 @!p0 $0x88, s6;
	s7 =	simm.s32 @p2 $0x1082  }
0x22: {  	[simem:s7], [sflag:s8] =	dma.local @!p0 [hbm:s6], $0xF7A  }
0x23: {  	s9 =	sor.u32 $0xD0000000, s2;
	s6 =	simm.s32 $0x108;
	_ =	swait.ge @!p0 [sflag:s8], $0x0  }
0x24: {  	s3 =	sadd.s32 $0x88, s3;
	s6 =	simm.s32 @!p1 $0x1082;
	[sflag:s4] =	ssyncset.s32 $0xFFFFF086  }
0x25: {  	[simem:s6], [sflag:s4] =	dma.local [hbm:s3], $0xF7A  }
0x26: {  	[smem:$0x3F9B] =	sst s1;
	(tag) =	ssettag s2;
	_ =	strace s9  }
0x27: {  	s1 =	sld [smem:$0x3FAB]  }
0x28: {  	s2 =	sld [smem:$0x3FAC]  }
0x29: {  	s4 =	sld [smem:$0x3FAE]  }
0x2a: {  	p0 =	seq.s32 s5, $0x0;
	s5 =	sld [smem:$0x3FAF]  }
0x2b: {  	s6 =	sld [smem:$0x3FB0]  }
0x2c: {  	s7 =	sld [smem:$0x3FB1]  }
0x2d: {  	s3 =	simm.s32 $0x108;
	s8 =	sld [smem:$0x3FB2]  }
0x2e: {  	s3 =	simm.s32 @!p0 $0x1082;
	s9 =	sld [smem:$0x3FB3]  }
0x2f: {  	lr =	sadd.s32 s0, s3;
	s0 =	sld [smem:$0x3FAA]  }
0x30: {  	s3 =	sld [smem:$0x3FAD]  }
0x31: {  	[smem:$0x3FB6] =	sst s10  }
0x32: {  	s10 =	sld [smem:$0x3FB4];
	_ =	sdelay $0x3  }
0x33: {  	p0 =	seq.s32 s10, $0x1;
	s10 =	sld [smem:$0x3FB6];
	_ =	sdelay $0x3  }
0x34: {  	[smem:$0x3FB6] =	sst s10  }
0x35: {  	s10 =	sld [smem:$0x3FB5];
	_ =	sdelay $0x3  }
0x36: {  	p1 =	seq.s32 s10, $0x1;
	s10 =	sld [smem:$0x3FB6];
	_ =	sdelay $0x3  }
0x37: {  	[smem:$0x3FB6] =	sst s10  }
0x38: {  	s10 =	sld [smem:$0x3FB7]  }
0x39: {  	_ = 	snop;
	(pc) =	sbr.ind lr, $3  }
0x3a: {  	_ = 	snop  }
0x3b: {  	_ = 	snop  }
0x3c: {  	p2 =	seq.s32 s10, $0x1;
	s10 =	sld [smem:$0x3FB6]  }
0x3d: {  	_ =	shalt  }
0x3e: {  	_ =	shalt  }
0x3f: {  	_ =	shalt  }
0x40: {  	_ =	shalt  }
0x41: {  	_ =	shalt  }
0x42: {  	_ =	shalt  }
0x43: {  	_ =	shalt  }
0x44: {  	_ =	shalt  }
0x45: {  	_ =	shalt  }
0x46: {  	_ =	shalt  }
0x47: {  	_ =	shalt  }
0x48: {  	_ =	shalt  }
0x49: {  	_ =	shalt  }
0x4a: {  	_ =	shalt  }
0x4b: {  	_ =	shalt  }
0x4c: {  	_ =	shalt  }
0x4d: {  	_ =	shalt  }
0x4e: {  	_ =	shalt  }
0x4f: {  	_ =	shalt  }
0x50: {  	_ =	shalt  }
0x51: {  	_ =	shalt  }
0x52: {  	_ =	shalt  }
0x53: {  	_ =	shalt  }
0x54: {  	_ =	shalt  }
0x55: {  	_ =	shalt  }
0x56: {  	_ =	shalt  }
0x57: {  	_ =	shalt  }
0x58: {  	_ =	shalt  }
0x59: {  	_ =	shalt  }
0x5a: {  	_ =	shalt  }
0x5b: {  	_ =	shalt  }
0x5c: {  	_ =	shalt  }
0x5d: {  	_ =	shalt  }
0x5e: {  	_ =	shalt  }
0x5f: {  	_ =	shalt  }
0x60: {  	_ =	shalt  }
0x61: {  	_ =	shalt  }
0x62: {  	_ =	shalt  }
0x63: {  	_ =	shalt  }
0x64: {  	_ =	shalt  }
0x65: {  	_ =	shalt  }
0x66: {  	_ =	shalt  }
0x67: {  	_ =	shalt  }
0x68: {  	_ =	shalt  }
0x69: {  	_ =	shalt  }
0x6a: {  	_ =	shalt  }
0x6b: {  	_ =	shalt  }
0x6c: {  	_ =	shalt  }
0x6d: {  	_ =	shalt  }
0x6e: {  	_ =	shalt  }
0x6f: {  	_ =	shalt  }
0x70: {  	_ =	shalt  }
0x71: {  	_ =	shalt  }
0x72: {  	_ =	shalt  }
0x73: {  	_ =	shalt  }
0x74: {  	_ =	shalt  }
0x75: {  	_ =	shalt  }
0x76: {  	_ =	shalt  }
0x77: {  	_ =	shalt  }
0x78: {  	_ =	shalt  }
0x79: {  	_ =	shalt  }
0x7a: {  	_ =	shalt  }
0x7b: {  	_ =	shalt  }
0x7c: {  	_ =	shalt  }
0x7d: {  	_ =	shalt  }
0x7e: {  	_ =	shalt  }
0x7f: {  	_ =	shalt  }
0x80: {  	_ =	shalt  }
0x81: {  	_ =	shalt  }
0x82: {  	_ =	shalt  }
0x83: {  	_ =	shalt  }
0x84: {  	_ =	shalt  }
0x85: {  	_ =	shalt  }
0x86: {  	_ =	shalt  }
0x87: {  	_ =	shalt  }
.Lfunc_end0:
.L_simem_size_0:
called_computation_lowered:
.L_overlay_start_0:
0x88: {  	s2 =	sld [smem:$0x3FD9]  }
0x89: {  	s3 =	sld [smem:$0x3FFE];
	_ =	sdelay $0x1  }
0x8a: {  	s1 =	srdreg.scid  }
0x8b: {  	s0 =	sand.u32 $0x1, s1  }
0x8c: {  	s17 =	sshll.u32 s0, $0xA;
	s2 =	sadd.s32 s3, s2  }
0x8d: {  	s2 =	sadd.s32 s2, s17  }
0x8e: {  	[smem:$0x3FC2] =	sst s2  }
0x8f: {  	_ = 	snop  }
0x90: {  	s2 =	sld [smem:$0x3FD0];
	(tm) =	ssettm $0x1  }
0x91: {  	s18 =	sld [smem:$0x3FFB];
	_ =	sdelay $0x3  }
0x92: {  	_ =	strace s18  }
0x93: {  	s3 =	sld [smem:$0x3FFC];
	_ =	sdelay $0x3  }
0x94: {  	_ =	strace s3  }
0x95: {  	s3 =	sld [smem:$0x3FFD];
	_ =	sdelay $0x3  }
0x96: {  	_ =	strace s3  }
0x97: {  	_ =	strace $0x8FFFFFFF  }
0x98: {  	s19 =	sld [smem:$0x3FDB];
	_ =	sdelay $0x1  }
0x99: {  	s4 =	simm.s32 $_scs_section_size  }
0x9a: {  	s5 =	simm.s32 $_size__tile_overlayer_lowered;
	s6 =	simm.s32 $_tile_overlayer_lowered  }
0x9b: {  	s22 =	simm.s32 $0x1BFF;
	s21 =	sshll.u32 s6, $0x1;
	s3 =	sadd.s32 s4, s19  }
0x9c: {  	s7 =	simm.s32 $0x0;
	s20 =	sshll.u32 s5, $0x1;
	s5 =	sadd.s32 s21, s3  }
0x9d: {  	[timem:s7], [sflag:s22] =	dma.local [hbm:s5], s20  }
0x9e: {  	_ =	swait.ge [sflag:s22], s20  }
0x9f: {  	s4 =	ssub.s32 $0x0, s20;
	[sflag:s22] =	ssyncset.done $0x0  }
0xa0: {  	[sflag:s22] =	ssyncadd.s32 s4;
	_ =	sdelay $0x1  }
0xa1: {  	s23 =	simm.s32 $0x1B8B  }
0xa2: {  	_ =	swait.ge [sflag:s23], $0x1  }
0xa3: {  	[sflag:s23] =	ssyncset.done $0x0  }
0xa4: {  	s25 =	simm.s32 $0x1B8E;
	s24 =	sld [smem:$0x3FFE];
	[sflag:s23] =	ssyncadd.s32 $0xFFFFFFFF  }
0xa5: {  	s26 =	simm.s32 $execute0_lowered;
	[smem:$0x3FD2] =	sst s25  }
0xa6: {  	s5 =	sshll.u32 s26, $0x1;
	_ =	strace $0x80000046;
	[dreg:$0x1] =	wrdreg $0xFFFFFFFF  }
0xa7: {  	s28 =	simm.s32 $_size_execute0_lowered;
	s3 =	sadd.s32 s3, s5;
	[dreg:$0x0] =	wrdreg $0x0  }
0xa8: {  	s5 =	sshll.u32 s28, $0x1;
	[dreg:$0x2] =	wrdreg s3  }
0xa9: {  	[dreg:$0x3] =	wrdreg s5  }
0xaa: {  	[dreg:$0x4] =	wrdreg $0xC0  }
0xab: {  	_ =	task [dreg:s7], $0x5FFFF  }
0xac: {  	[dreg:$0x1] =	wrdreg $0xFFFFFFFF  }
0xad: {  	[dreg:$0x0] =	wrdreg $0x60  }
0xae: {  	[dreg:$0x2] =	wrdreg s24  }
0xaf: {  	[dreg:$0x3] =	wrdreg s2  }
0xb0: {  	[dreg:$0x4] =	wrdreg $0x9  }
0xb1: {  	_ =	task.clear_ibuf [dreg:s7], $0x5FFFF;
	_ =	strace $0x90000046  }
0xb2: {  	s29 =	simm.s32 $0x9;
	_ =	strace $0x80000048  }
0xb3: {  	_ =	swait.ge [sflag:s29], $0x1  }
0xb4: {  	[sflag:s29] =	ssyncadd.s32 $0xFFFFFFFF  }
0xb5: {  	_ =	strace $0x90000048  }
0xb6: {  	_ =	sfence  }
0xb7: {  	s30 =	sld [smem:$0x0];
	_ =	sdelay $0x2  }
0xb8: {  	s31 =	sshll.u32 s1, $0xD;
	s1 =	sshrl.u32 s1, $0x2  }
0xb9: {  	s3 =	sand.u32 $0x4000, s31;
	s1 =	sadd.s32 s1, s30  }
0xba: {  	s0 =	sor.u32 s3, s0;
	s1 =	sshll.u32 s1, $0x11  }
0xbb: {  	s0 =	sor.u32 s1, s0  }
0xbc: {  	s0 =	sadd.s32 $0x8F2B, s0  }
0xbd: {  	[sflag:s0] =	ssyncadd.remote.s32 $0x1  }
0xbe: {  	_ =	sfence.sel $0xFFFF  }
0xbf: {  	[dreg:$0x0] =	wrdreg $0xFFFFFFFF;
	(pc) =	sbr.abs _section_cstart, $3  }
0xc0: {  	[dreg:$0x1] =	wrdreg $0xFFFFFFFF  }
0xc1: {  	_ =	task.clear_ibuf [dreg:s7], $0x2FFFF;
	_ =	strace $0x9FFFFFFF  }
0xc2: {  	(tm) =	ssettm $0x7FFFFFFF  }
0xc3: {  	_ =	shalt  }
tec
execute0_lowered:
.L_overlay_start_1:
0x0: {  	(tag) =	ssettag $0x1  }
0x1: {  	s3 =	rddreg [dreg:$0x0]  }
0x2: {  	s5 =	rddreg [dreg:$0x1]  }
0x3: {  	s0 =	rddreg [dreg:$0x2];
	s4 =	srdreg.scid  }
0x4: {  	s2 =	simm.s32 $0x0;
	s1 =	stileid.u32;
	s9 =	simm.s32 $0x2800  }
0x5: {  	s10 =	simm.s32 $0x2;
	s11 =	simm.s32 $0x1;
	s12 =	simm.s32 $0x4100  }
0x6: {  	s13 =	simm.s32 $0x3;
	s14 =	simm.s32 $0x0;
	s4 =	sand.u32 $0x1, s4  }
0x7: {  	[smem:$0x7FF] =	sst s2;
	s6 =	sshll.u32 s1, $0x5;
	s7 =	sshll.u32 s4, $0x4  }
0x8: {  	_ =	strace $0x80000047;
	s4 =	ssub.s32 $0x2, s4;
	s6 =	sor.u32 s7, s6  }
0x9: {  	s8 =	sshrl.u32 s4, $0x1;
	s7 =	sadd.s32 s6, s3;
	s3 =	sadd.s32 $0x7800, s3  }
0xa: {  	s8 =	ssub.s32 s4, s8;
	s5 =	sadd.s32 s5, s6;
	s4 =	sadd.s32 $0x1400, s7  }
0xb: {  	s6 =	smax.u32 s8, $0x1;
	s7 =	simm.s32 $0x80;
	s8 =	simm.s32 $0x1000  }
.LBB2_1:
0xc: {  	[tilespmem:s2], [sflag:$0x1] =	stream.linear.gather [hbm4b:s3+s2], $0x2800, $0x38;
	[tilespmem:$0x4180] =	vst v63  }
0xd: {  	_ = 	snop  }
0xe: {  	[tilespmem:s9], [sflag:$0x2] =	stream.strided.gather [hbm4b:s4+s7], $0x1900, s8, s7, $0x38;
	[tilespmem:$0x4180] =	vst v63  }
0xf: {  	_ =	swait.ge [sflag:s10], $0x1900  }
0x10: {  	[sflag:s10] =	ssyncset.done $0x0  }
0x11: {  	[sflag:s10] =	ssyncadd.s32 $0xFFFFE700  }
0x12: {  	_ =	swait.ge [sflag:s11], $0x2800  }
0x13: {  	[sflag:s11] =	ssyncset.done $0x0  }
0x14: {  	s15 =	simm.s32 $0x0;
	[sflag:s11] =	ssyncadd.s32 $0xFFFFD800  }
0x15: {  	v0 =	vld [tilespmem:s15+$0x2870]  }
0x16: {  	v1 =	vld [tilespmem:s15+$0x2800]  }
0x17: {  	v2 =	vld [tilespmem:s15+$0x2810]  }
0x18: {  	v3 =	vld [tilespmem:s15+$0x2820]  }
0x19: {  	v4 =	vld [tilespmem:s15+$0x2830]  }
0x1a: {  	v5 =	vld [tilespmem:s15+$0x2840]  }
0x1b: {  	v6 =	vld [tilespmem:s15+$0x2850]  }
0x1c: {  	v11 =	vld [tilespmem:s15+$0x2860]  }
0x1d: {  	v0 =	vld.idx.msk [tilespmem:v0+s2+$0x0], $0xffff  }
0x1e: {  	v1 =	vld.idx.msk [tilespmem:v1+s2+$0x0], $0xffff  }
0x1f: {  	v13 =	vld.idx.msk [tilespmem:v2+s2+$0x0], $0xffff  }
0x20: {  	v12 =	vld.idx.msk [tilespmem:v3+s2+$0x0], $0xffff  }
0x21: {  	v10 =	vld.idx.msk [tilespmem:v4+s2+$0x0], $0xffff  }
0x22: {  	v7 =	vimm.f32 $0.0e+00;
	v2 =	vimm.f32 $0.0e+00;
	v9 =	vld.idx.msk [tilespmem:v5+s2+$0x0], $0xffff  }
0x23: {  	v8 =	vld.idx.msk [tilespmem:v6+s2+$0x0], $0xffff;
	v4 =	vimm.f32 $0.0e+00;
	v6 =	vimm.f32 $0.0e+00;
	v3 =	vimm.f32 $0.0e+00  }
0x24: {  	s16 =	simm.s32 $0x80;
	s15 =	simm.s32 $0x400;
	v11 =	vld.idx.msk [tilespmem:v11+s2+$0x0], $0xffff;
	v0 =	vadd.f32 v0, v2;
	v5 =	vadd.f32 v1, v2;
	v1 =	vimm.f32 $0.0e+00  }
.LBB2_2:
0x25: {  	p0 =	sne.s32 s15, $0x6200;
	v14 =	vld [tilespmem:s16+$0x2870];
	v2 =	vadd.f32 v13, v2  }
0x26: {  	v7 =	vadd.f32 v12, v7;
	v13 =	vld [tilespmem:s16+$0x2800]  }
0x27: {  	v4 =	vadd.f32 v10, v4;
	v12 =	vld [tilespmem:s16+$0x2810]  }
0x28: {  	v6 =	vadd.f32 v9, v6;
	v10 =	vld [tilespmem:s16+$0x2820]  }
0x29: {  	v3 =	vadd.f32 v8, v3;
	v9 =	vld [tilespmem:s16+$0x2830]  }
0x2a: {  	v1 =	vadd.f32 v11, v1;
	v8 =	vld [tilespmem:s16+$0x2840]  }
0x2b: {  	v11 =	vld [tilespmem:s16+$0x2850]  }
0x2c: {  	v15 =	vld [tilespmem:s16+$0x2860]  }
0x2d: {  	v14 =	vld.idx.msk [tilespmem:v14+s2+$0x0], $0xffff  }
0x2e: {  	v16 =	vld.idx.msk [tilespmem:v13+s2+$0x0], $0xffff  }
0x2f: {  	v13 =	vld.idx.msk [tilespmem:v12+s2+$0x0], $0xffff  }
.Ltmp0:
0x30: {  	v12 =	vld.idx.msk [tilespmem:v10+s2+$0x0], $0xffff;
	(pc) =	sbr.rel @p0 .LBB2_2-.Ltmp0, $4  }
0x31: {  	v10 =	vld.idx.msk [tilespmem:v9+s2+$0x0], $0xffff  }
0x32: {  	v9 =	vld.idx.msk [tilespmem:v8+s2+$0x0], $0xffff  }
0x33: {  	v0 =	vadd.f32 v14, v0;
	v8 =	vld.idx.msk [tilespmem:v11+s2+$0x0], $0xffff  }
0x34: {  	s16 =	sshra.s32 s15, $0x2;
	s15 =	sadd.s32 $0x200, s15;
	v5 =	vadd.f32 v16, v5;
	v11 =	vld.idx.msk [tilespmem:v15+s2+$0x0], $0xffff  }
0x35: {  	v15 =	vld [tilespmem:s16+$0x2800]  }
0x36: {  	v16 =	vld [tilespmem:s16+$0x2810]  }
0x37: {  	v17 =	vld [tilespmem:s16+$0x2820]  }
0x38: {  	v18 =	vld [tilespmem:s16+$0x2830]  }
0x39: {  	v19 =	vld [tilespmem:s16+$0x2840]  }
0x3a: {  	v20 =	vld [tilespmem:s16+$0x2850]  }
0x3b: {  	v21 =	vld [tilespmem:s16+$0x2860]  }
0x3c: {  	v14 =	vld [tilespmem:s16+$0x2870]  }
0x3d: {  	v15 =	vld.idx.msk [tilespmem:v15+s2+$0x0], $0xffff  }
0x3e: {  	v16 =	vld.idx.msk [tilespmem:v16+s2+$0x0], $0xffff  }
0x3f: {  	v17 =	vld.idx.msk [tilespmem:v17+s2+$0x0], $0xffff  }
0x40: {  	v18 =	vld.idx.msk [tilespmem:v18+s2+$0x0], $0xffff  }
0x41: {  	v2 =	vadd.f32 v13, v2;
	v60 =	vld.idx.msk [tilespmem:v19+s2+$0x0], $0xffff  }
0x42: {  	v7 =	vadd.f32 v12, v7;
	v61 =	vld.idx.msk [tilespmem:v20+s2+$0x0], $0xffff;
	v5 =	vadd.f32 v15, v5  }
0x43: {  	v4 =	vadd.f32 v10, v4;
	v62 =	vld.idx.msk [tilespmem:v21+s2+$0x0], $0xffff;
	v2 =	vadd.f32 v16, v2  }
0x44: {  	v6 =	vadd.f32 v9, v6;
	v14 =	vld.idx.msk [tilespmem:v14+s2+$0x0], $0xffff;
	v7 =	vadd.f32 v17, v7;
	[tilespmem:$0x4100] =	vst v5  }
0x45: {  	v3 =	vadd.f32 v8, v3;
	v4 =	vadd.f32 v18, v4;
	[tilespmem:$0x4110] =	vst v2  }
0x46: {  	v1 =	vadd.f32 v11, v1;
	v63 =	vadd.f32 v60, v6;
	[tilespmem:$0x4120] =	vst v7  }
0x47: {  	v3 =	vadd.f32 v61, v3;
	[tilespmem:$0x4130] =	vst v4  }
0x48: {  	v1 =	vadd.f32 v62, v1;
	[tilespmem:$0x4140] =	vst v63  }
0x49: {  	s14 =	sadd.s32 $0x1, s14;
	v0 =	vadd.f32 v14, v0;
	[tilespmem:$0x4150] =	vst v3  }
0x4a: {  	p0 =	sne.s32 s14, s6;
	[tilespmem:$0x4160] =	vst v1  }
.Ltmp1:
0x4b: {  	[tilespmem:$0x4170] =	vst v0;
	(pc) =	sbr.rel @p0 .LBB2_1-.Ltmp1, $4  }
0x4c: {  	[hbm4b:s5+s2] =	stream.linear.scatter [tilespmem:s12], [sflag:$0x3], $0x80, $0x38;
	[tilespmem:$0x4180] =	vst v63  }
0x4d: {  	_ =	swait.ge [sflag:s13], $0x80  }
0x4e: {  	[sflag:s13] =	ssyncset.done $0x0  }
0x4f: {  	[sflag:s13] =	ssyncadd.s32 $0xFFFFFF80  }
0x50: {  	_ =	sfence.sel $0x180000  }
0x51: {  	[bflag:$0x0] =	sbarrier.arrive $0xFFFF  }
0x52: {  	p0 =	sne.s32 s1, $0x0;
	_ =	strace $0x90000047  }
0x53: {  	s0 =	sadd.s32 @!p0 $0x100000, s0;
	[bflag:$0x2] =	sbarrier.arrive $0xFFFF  }
0x54: {  	[sflag:s0] =	ssyncadd.tile.s32 @!p0 $0x1;
	_ =	shalt  }
.Lfunc_end2:
_tile_overlayer_lowered:
.L_overlay_start_2:
0x55: {  	(tag) =	ssettag $0x2  }
0x56: {  	s0 =	rddreg [dreg:$0x0];
	s2 =	stileid.u32  }
0x57: {  	s1 =	rddreg [dreg:$0x1];
	p0 =	sne.s32 s2, $0x0  }
0x58: {  	s3 =	rddreg [dreg:$0x2];
	[bflag:$0x3] =	sbarrier.arrive $0xFFFF;
	s2 =	simm.s32 @!p0 $0x1C03  }
0x59: {  	[timem:s3], [sflag:s2] =	dma.local @!p0 [hbm:s0], s1  }
0x5a: {  	s0 =	simm.s32 @!p0 $0x3  }
0x5b: {  	_ =	swait.ge @!p0 [sflag:s0], s1  }
0x5c: {  	s1 =	ssub.s32 @!p0 $0x0, s1;
	[sflag:s0] =	ssyncset.done @!p0 $0x0  }
0x5d: {  	[sflag:s0] =	ssyncadd.s32 @!p0 s1  }
0x5e: {  	[bflag:$0x3] =	sbarrier.arrive $0xFFFF  }
0x5f: {  	_ =	shalt  }

</sc_bundles>
